<compile_context>
chip_gen: v7x
topology: tpu7x:2x2x1
jax: 0.10.2.dev20260603
libtpu: 0.0.44.dev20260713+nightly
codegen_flags: <defaults>
</compile_context>

<pallas_src>
import functools

import jax
import jax.numpy as jnp
from jax import lax
from jax.experimental import pallas as pl
from jax.experimental.pallas import tpu as pltpu
from jax.experimental.pallas import tpu_sc as plsc

_K = 20
_EPS = 1e-5
_F32 = jnp.float32


def _lrelu(v, s):
    return jnp.where(v >= 0, v, s * v)


_HALF_PI = float(jnp.pi) / 2.0


def _atan(t):
    at = jnp.abs(t)
    inv = at > 1.0
    z = jnp.where(inv, 1.0 / at, at)
    z2 = z * z
    p = _F32(-0.0117212)
    p = p * z2 + _F32(0.05265332)
    p = p * z2 + _F32(-0.11643287)
    p = p * z2 + _F32(0.19354346)
    p = p * z2 + _F32(-0.33262347)
    p = p * z2 + _F32(0.99997726)
    r = z * p
    r = jnp.where(inv, _HALF_PI - r, r)
    return jnp.where(t < 0, -r, r)


def _acos(u):
    s = jnp.sqrt(jnp.maximum(1.0 - u * u, 0.0))
    return _HALF_PI - _atan(u / s)


_HI = jax.lax.Precision.HIGHEST


def _dotT(a, b):
    return lax.dot_general(a, b, (((1,), (1,)), ((), ())), precision=_HI)


def _dot(a, b):
    return lax.dot_general(a, b, (((1,), (0,)), ((), ())), precision=_HI)


def _select_min(work, n, b, o_ref):
    R, N = work.shape
    iota = lax.broadcasted_iota(jnp.int32, (R, N), 1)
    cols = []
    for _ in range(_K):
        m = jnp.min(work, axis=1, keepdims=True)
        cand = jnp.where(work == m, iota, N)
        arg = jnp.min(cand, axis=1, keepdims=True)
        cols.append(arg)
        work = jnp.where(iota == arg, _F32(3.4e38), work)
    o_ref[0] = jnp.concatenate(cols, axis=1) + b * n


def _topk_graph(feat3):
    B, N, C = feat3.shape
    R = 256 if N % 256 == 0 else N
    NT = N // R

    def kern(xr_ref, xa_ref, o_ref):
        b = pl.program_id(0)
        xr = xr_ref[0]
        xa = xa_ref[0]
        rn = jnp.sum(xr * xr, axis=1, keepdims=True)
        an = jnp.transpose(jnp.sum(xa * xa, axis=1, keepdims=True))
        cross = lax.dot_general(xr, xa, (((1,), (1,)), ((), ())),
                                precision=_HI)
        _select_min(rn + an - 2.0 * cross, N, b, o_ref)

    return pl.pallas_call(
        kern,
        grid=(B, NT),
        in_specs=[pl.BlockSpec((1, R, C), lambda b, i: (b, i, 0)),
                  pl.BlockSpec((1, N, C), lambda b, i: (b, 0, 0))],
        out_specs=pl.BlockSpec((1, R, _K), lambda b, i: (b, i, 0)),
        out_shape=jax.ShapeDtypeStruct((B, N, _K), jnp.int32),
        interpret=False,
    )(feat3, feat3)


def _topk_feat(featT):
    B, C, N = featT.shape
    R = 256 if N % 256 == 0 else N
    NT = N // R

    def kern(xr_ref, xa_ref, o_ref):
        b = pl.program_id(0)
        xr = xr_ref[0]
        xa = xa_ref[0]
        inner = -2.0 * lax.dot_general(xr, xa, (((0,), (0,)), ((), ())),
                                       precision=_HI)
        xx = jnp.sum(xa * xa, axis=0, keepdims=True)
        rncol = jnp.transpose(jnp.sum(xr * xr, axis=0, keepdims=True))
        pd = -xx - inner - rncol
        _select_min(-pd, N, b, o_ref)

    return pl.pallas_call(
        kern,
        grid=(B, NT),
        in_specs=[pl.BlockSpec((1, C, R), lambda b, i: (b, 0, i)),
                  pl.BlockSpec((1, C, N), lambda b, i: (b, 0, 0))],
        out_specs=pl.BlockSpec((1, R, _K), lambda b, i: (b, i, 0)),
        out_shape=jax.ShapeDtypeStruct((B, N, _K), jnp.int32),
        interpret=False,
    )(featT, featT)



_KNN = 20
_EMBC = 512


def _sel_only(dist):
    B, N, _ = dist.shape
    R = 256
    NT = N // R

    def kern(d_ref, o_ref):
        b = pl.program_id(0)
        _select_min(d_ref[0], N, b, o_ref)

    return pl.pallas_call(
        kern,
        grid=(B, NT),
        in_specs=[pl.BlockSpec((1, R, N), lambda b, i: (b, i, 0))],
        out_specs=pl.BlockSpec((1, R, _KNN), lambda b, i: (b, i, 0)),
        out_shape=jax.ShapeDtypeStruct((B, N, _KNN), jnp.int32),
        interpret=False,
    )(dist)


def _r_gn(x, groups=8, eps=1e-5):
    shp = x.shape
    xg = x.reshape(shp[0], groups, shp[1] // groups, -1)
    m = xg.mean(axis=(2, 3), keepdims=True)
    v = xg.var(axis=(2, 3), keepdims=True)
    return ((xg - m) / jnp.sqrt(v + eps)).reshape(shp)


def _r_bn(x, eps=1e-5):
    axes = (0,) + tuple(range(2, x.ndim))
    m = x.mean(axis=axes, keepdims=True)
    v = x.var(axis=axes, keepdims=True)
    return (x - m) / jnp.sqrt(v + eps)


def _r_conv(x, w):
    return jnp.einsum('oi,bi...->bo...', w, x)


def _r_gsc(signal, edges, ef, k, p):
    b, n, c = signal.shape
    flat = signal.reshape(b * n, c)
    edge_feature = flat[edges].reshape(-1, k, c) - flat[:, None, :]
    sig = jnp.concatenate([edge_feature.reshape(-1, c), ef], axis=-1)
    sig = jnp.swapaxes(sig.reshape(b, n, k, c + 6), 1, 3)
    h = _lrelu(_r_gn(_r_conv(sig, p['w1'])), 0.1)
    h = jnp.max(h, axis=2)
    h = _lrelu(_r_gn(_r_conv(h, p['w2'])), 0.1)
    h = _lrelu(_r_gn(_r_conv(h, p['w3'])), 0.1)
    return jnp.swapaxes(h, 1, 2)


def _r_ggf(x, k):
    b, c, n = x.shape
    inner = -2.0 * jnp.einsum('bcn,bcm->bnm', x, x)
    xx = jnp.sum(x ** 2, axis=1, keepdims=True)
    pd = -xx - inner - jnp.swapaxes(xx, 1, 2)
    idxg = _sel_only(-pd)
    xt = jnp.swapaxes(x, 1, 2)
    flat = xt.reshape(b * n, c)
    feat = flat[idxg.reshape(-1)].reshape(b, n, k, c)
    xc = jnp.broadcast_to(xt[:, :, None, :], (b, n, k, c))
    return jnp.concatenate([feat - xc, xc], axis=3).transpose(0, 3, 1, 2)


def kernel(x, params):
    b, n, _ = x.shape
    k = _KNN
    d = jnp.sum(x ** 2, axis=-1, keepdims=True)
    dist = d + jnp.swapaxes(d, 1, 2) - 2.0 * jnp.einsum('bnc,bmc->bnm', x, x)
    nbg = _sel_only(dist)
    nb = nbg.reshape(b, n * k)
    flat = x.reshape(b * n, 3)
    src = flat[nb.reshape(-1)].reshape(b, n * k, 3)
    tgt = jnp.repeat(x, k, axis=1)
    ef3 = (src - tgt).reshape(b * n * k, 3)
    r = jnp.linalg.norm(ef3, axis=-1, keepdims=True)
    theta = jnp.arccos(jnp.clip(ef3[:, 2:3] / (r + 1e-4), -1.0, 1.0))
    phi = jnp.arctan(ef3[:, 1:2] / (ef3[:, 0:1] + 1e-4))
    ef6 = jnp.concatenate([ef3, r, theta, phi], axis=-1)
    edges = nb.reshape(-1)
    g1 = _r_gsc(x, edges, ef6, k, params['gsc1'])
    g2 = _r_gsc(g1, edges, ef6, k, params['gsc2'])
    g3 = _r_gsc(g2, edges, ef6, k, params['gsc3'])
    f = _r_ggf(jnp.swapaxes(g1, 1, 2), k)
    f = _lrelu(_r_bn(_r_conv(f, params['c1'])), 0.2)
    f = _lrelu(_r_bn(_r_conv(f, params['c2'])), 0.2)
    x1 = jnp.max(f, axis=-1)
    f = _r_ggf(x1, k)
    f = _lrelu(_r_bn(_r_conv(f, params['c3'])), 0.2)
    f = _lrelu(_r_bn(_r_conv(f, params['c4'])), 0.2)
    x2 = jnp.max(f, axis=-1)
    xcat = jnp.concatenate([jnp.swapaxes(g1, 1, 2), jnp.swapaxes(g2, 1, 2),
                            jnp.swapaxes(g3, 1, 2), x1, x2], axis=1)
    emb = _lrelu(_r_bn(_r_conv(xcat, params['c5'])), 0.2)
    emb = jnp.broadcast_to(jnp.max(emb, axis=-1, keepdims=True), (b, _EMBC, n))
    h = jnp.concatenate([emb, xcat], axis=1)
    h = _lrelu(_r_bn(_r_conv(h, params['c6'])), 0.2)
    h = _lrelu(_r_bn(_r_conv(h, params['c7'])), 0.2)
    return _r_conv(h, params['c8'])

# --- scband reference (transcript-rebuilt; emitter-appended) ---
"""Pipeline reference for scband-geo-dgcnn-flow2-18794776887562 (READ-ONLY COPY).

The authoritative reference and input builder live on the scoring server;
editing this copy changes nothing except your own understanding.
"""

import jax, jax.numpy as jnp
import numpy as np

B, N, KNN, EMB = 2, 4096, 20, 512

def _keys(key):
    i = [0]
    def nk():
        i[0] += 1
        return jax.random.fold_in(key, i[0])
    return nk

def _w(k, cout, cin):
    return (jax.random.normal(k, (cout, cin), dtype=jnp.float32) / np.sqrt(cin)).astype(jnp.float32)

def _gsc_params(nk, cin, cout):
    mid = cout // 2 if cin % 2 != 0 else (cout + cin) // 2
    return {'w1': _w(nk(), mid, cin + 6),
            'g1w': jnp.ones((mid,), jnp.float32), 'g1b': jnp.zeros((mid,), jnp.float32),
            'w2': _w(nk(), cout, mid),
            'g2w': jnp.ones((cout,), jnp.float32), 'g2b': jnp.zeros((cout,), jnp.float32),
            'w3': _w(nk(), cout, cout),
            'g3w': jnp.ones((cout,), jnp.float32), 'g3b': jnp.zeros((cout,), jnp.float32)}

def setup_inputs(seed: int = 0):
    key = jax.random.key(seed)
    nk = _keys(key)
    x = jax.random.normal(nk(), (B, N, 3), dtype=jnp.float32)
    params = {'gsc1': _gsc_params(nk, 3, 32),
              'gsc2': _gsc_params(nk, 32, 64),
              'gsc3': _gsc_params(nk, 64, 96),
              'c1': _w(nk(), 64, 64), 'bn1w': jnp.ones((64,), jnp.float32), 'bn1b': jnp.zeros((64,), jnp.float32),
              'c2': _w(nk(), 64, 64), 'bn2w': jnp.ones((64,), jnp.float32), 'bn2b': jnp.zeros((64,), jnp.float32),
              'c3': _w(nk(), 96, 128), 'bn3w': jnp.ones((96,), jnp.float32), 'bn3b': jnp.zeros((96,), jnp.float32),
              'c4': _w(nk(), 96, 96), 'bn4w': jnp.ones((96,), jnp.float32), 'bn4b': jnp.zeros((96,), jnp.float32),
              'c5': _w(nk(), EMB, 352), 'bn5w': jnp.ones((EMB,), jnp.float32), 'bn5b': jnp.zeros((EMB,), jnp.float32),
              'c6': _w(nk(), 512, EMB + 352), 'bn6w': jnp.ones((512,), jnp.float32), 'bn6b': jnp.zeros((512,), jnp.float32),
              'c7': _w(nk(), 256, 512), 'bn7w': jnp.ones((256,), jnp.float32), 'bn7b': jnp.zeros((256,), jnp.float32),
              'c8': _w(nk(), 128, 256)}
    return {'x': x, 'params': params}

def _lrelu(x, s):
    return jnp.where(x >= 0, x, s * x)

def _conv1x1(x, w):
    return jnp.einsum('oi,bi...->bo...', w, x)

def _group_norm(x, w, b, groups=8, eps=1e-5):
    shp = x.shape
    xg = x.reshape(shp[0], groups, shp[1] // groups, -1)
    m = xg.mean(axis=(2, 3), keepdims=True)
    v = xg.var(axis=(2, 3), keepdims=True)
    xn = ((xg - m) / jnp.sqrt(v + eps)).reshape(shp)
    bshape = (1, shp[1]) + (1,) * (len(shp) - 2)
    return xn * w.reshape(bshape) + b.reshape(bshape)

def _batch_norm(x, w, b, eps=1e-5):
    axes = (0,) + tuple(range(2, x.ndim))
    m = x.mean(axis=axes, keepdims=True)
    v = x.var(axis=axes, keepdims=True)
    xn = (x - m) / jnp.sqrt(v + eps)
    bshape = (1, x.shape[1]) + (1,) * (x.ndim - 2)
    return xn * w.reshape(bshape) + b.reshape(bshape)

def _construct_graph(pc, k):
    b, n, _ = pc.shape
    d = jnp.sum(pc ** 2, axis=-1, keepdims=True)
    dist = d + jnp.swapaxes(d, 1, 2) - 2.0 * jnp.einsum('bnc,bmc->bnm', pc, pc)
    nb = jnp.argsort(dist, axis=-1)[..., :k].reshape(b, n * k)
    src = jnp.take_along_axis(pc, nb[..., None], axis=1)
    tgt = jnp.repeat(pc, k, axis=1)
    ef = (src - tgt).reshape(b * n * k, 3)
    r = jnp.linalg.norm(ef, axis=-1, keepdims=True)
    theta = jnp.arccos(jnp.clip(ef[:, 2:3] / (r + 1e-4), -1.0, 1.0))
    phi = jnp.arctan(ef[:, 1:2] / (ef[:, 0:1] + 1e-4))
    ef6 = jnp.concatenate([ef, r, theta, phi], axis=-1)
    edges = (nb + (jnp.arange(b) * n)[:, None]).reshape(-1)
    return edges, ef6

def _geo_set_conv(signal, edges, ef, k, p):
    b, n, c = signal.shape
    flat = signal.reshape(b * n, c)
    edge_feature = flat[edges].reshape(-1, k, c) - flat[:, None, :]
    sig = jnp.concatenate([edge_feature.reshape(-1, c), ef], axis=-1)
    sig = jnp.swapaxes(sig.reshape(b, n, k, c + 6), 1, 3)
    h = _lrelu(_group_norm(_conv1x1(sig, p['w1']), p['g1w'], p['g1b']), 0.1)
    h = jnp.max(h, axis=2)
    h = _lrelu(_group_norm(_conv1x1(h, p['w2']), p['g2w'], p['g2b']), 0.1)
    h = _lrelu(_group_norm(_conv1x1(h, p['w3']), p['g3w'], p['g3b']), 0.1)
    return jnp.swapaxes(h, 1, 2)

def _knn_idx(x, k):
    inner = -2.0 * jnp.einsum('bcn,bcm->bnm', x, x)
    xx = jnp.sum(x ** 2, axis=1, keepdims=True)
    pd = -xx - inner - jnp.swapaxes(xx, 1, 2)
    return jax.lax.top_k(pd, k)[1]

def _get_graph_feature(x, k):
    b, c, n = x.shape
    idx = _knn_idx(x, k)
    xt = jnp.swapaxes(x, 1, 2)
    flat = xt.reshape(b * n, c)
    idx_flat = (idx + (jnp.arange(b) * n)[:, None, None]).reshape(-1)
    feat = flat[idx_flat].reshape(b, n, k, c)
    xc = jnp.broadcast_to(xt[:, :, None, :], (b, n, k, c))
    return jnp.concatenate([feat - xc, xc], axis=3).transpose(0, 3, 1, 2)

def _forward(x, params):
    b, n, _ = x.shape
    edges, ef = _construct_graph(x, KNN)
    g1 = _geo_set_conv(x, edges, ef, KNN, params['gsc1'])
    g2 = _geo_set_conv(g1, edges, ef, KNN, params['gsc2'])
    g3 = _geo_set_conv(g2, edges, ef, KNN, params['gsc3'])
    f = _get_graph_feature(jnp.swapaxes(g1, 1, 2), KNN)
    f = _lrelu(_batch_norm(_conv1x1(f, params['c1']), params['bn1w'], params['bn1b']), 0.2)
    f = _lrelu(_batch_norm(_conv1x1(f, params['c2']), params['bn2w'], params['bn2b']), 0.2)
    x1 = jnp.max(f, axis=-1)
    f = _get_graph_feature(x1, KNN)
    f = _lrelu(_batch_norm(_conv1x1(f, params['c3']), params['bn3w'], params['bn3b']), 0.2)
    f = _lrelu(_batch_norm(_conv1x1(f, params['c4']), params['bn4w'], params['bn4b']), 0.2)
    x2 = jnp.max(f, axis=-1)
    xcat = jnp.concatenate([jnp.swapaxes(g1, 1, 2), jnp.swapaxes(g2, 1, 2), jnp.swapaxes(g3, 1, 2), x1, x2], axis=1)
    emb = _lrelu(_batch_norm(_conv1x1(xcat, params['c5']), params['bn5w'], params['bn5b']), 0.2)
    emb = jnp.broadcast_to(jnp.max(emb, axis=-1, keepdims=True), (b, EMB, n))
    h = jnp.concatenate([emb, xcat], axis=1)
    h = _lrelu(_batch_norm(_conv1x1(h, params['c6']), params['bn6w'], params['bn6b']), 0.2)
    h = _lrelu(_batch_norm(_conv1x1(h, params['c7']), params['bn7w'], params['bn7b']), 0.2)
    return _conv1x1(h, params['c8'])

def reference(x, params):
    return _forward(x, params)

if __name__ == "__main__":
    import jax
    _d = setup_inputs()
    print(jax.jit(kernel)(*tuple(_d.values())))

</pallas_src>

<mosaic_0001>
module attributes {stable_mosaic.version = 14 : i64} {
  func.func @kern(%arg0: i32, %arg1: i32, %arg2: memref<1x256x4096xf32, #tpu.memory_space<vmem>>, %arg3: memref<1x256x20xi32, #tpu.memory_space<vmem>>) attributes {dimension_semantics = [#tpu.dimension_semantics<arbitrary>, #tpu.dimension_semantics<arbitrary>], iteration_bounds = array<i64: 2, 16>, scalar_prefetch = 0 : i64, scratch_operands = 0 : i64, tpu.core_type = #tpu.core_type<tc>, window_params = [{transform_indices = @transform_0, window_bounds = array<i64: 1, 256, 4096>}, {transform_indices = @transform_1, window_bounds = array<i64: 1, 256, 20>}]} {
    %get3A = arith.constant 0 : index
    %get3A_0 = arith.constant 0 : index
    %get3A_1 = arith.constant 0 : index
    %get3A_2 = vector.load %arg2[%get3A, %get3A_0, %get3A_1] : memref<1x256x4096xf32, #tpu.memory_space<vmem>>, vector<1x256x4096xf32>
    %get3A_3 = vector.shape_cast %get3A_2 : vector<1x256x4096xf32> to vector<256x4096xf32>
    %iota3A = tpu.iota {dimensions = array<i32: 1>} : vector<256x4096xi32>
    %reduce_min3A = arith.constant dense<0x7F800000> : vector<256xf32>
    %reduce_min3A_4 = vector.multi_reduction <minimumf>, %get3A_3, %reduce_min3A [1] : vector<256x4096xf32> to vector<256xf32>
    %broadcast_in_dim3A = vector.shape_cast %reduce_min3A_4 : vector<256xf32> to vector<256x1xf32>
    %eq3A = vector.broadcast %broadcast_in_dim3A : vector<256x1xf32> to vector<256x4096xf32>
    %eq3A_5 = arith.cmpf oeq, %get3A_3, %eq3A : vector<256x4096xf32>
    %jit3A = arith.constant 4096 : i32
    %broadcast_in_dim3A_6 = vector.broadcast %jit3A : i32 to vector<256x4096xi32>
    %select_n3A = arith.select %eq3A_5, %iota3A, %broadcast_in_dim3A_6 : vector<256x4096xi1>, vector<256x4096xi32>
    %reduce_min3A_7 = arith.constant dense<2147483647> : vector<256xi32>
    %reduce_min3A_8 = vector.multi_reduction <minsi>, %select_n3A, %reduce_min3A_7 [1] : vector<256x4096xi32> to vector<256xi32>
    %broadcast_in_dim3A_9 = vector.shape_cast %reduce_min3A_8 : vector<256xi32> to vector<256x1xi32>
    %eq3A_10 = vector.broadcast %broadcast_in_dim3A_9 : vector<256x1xi32> to vector<256x4096xi32>
    %eq3A_11 = arith.cmpi eq, %iota3A, %eq3A_10 : vector<256x4096xi32>
    %jit3A_12 = arith.constant 3.400000e+38 : f32
    %broadcast_in_dim3A_13 = vector.broadcast %jit3A_12 : f32 to vector<256x4096xf32>
    %select_n3A_14 = arith.select %eq3A_11, %broadcast_in_dim3A_13, %get3A_3 : vector<256x4096xi1>, vector<256x4096xf32>
    %reduce_min3A_15 = arith.constant dense<0x7F800000> : vector<256xf32>
    %reduce_min3A_16 = vector.multi_reduction <minimumf>, %select_n3A_14, %reduce_min3A_15 [1] : vector<256x4096xf32> to vector<256xf32>
    %broadcast_in_dim3A_17 = vector.shape_cast %reduce_min3A_16 : vector<256xf32> to vector<256x1xf32>
    %eq3A_18 = vector.broadcast %broadcast_in_dim3A_17 : vector<256x1xf32> to vector<256x4096xf32>
    %eq3A_19 = arith.cmpf oeq, %select_n3A_14, %eq3A_18 : vector<256x4096xf32>
    %jit3A_20 = arith.constant 4096 : i32
    %broadcast_in_dim3A_21 = vector.broadcast %jit3A_20 : i32 to vector<256x4096xi32>
    %select_n3A_22 = arith.select %eq3A_19, %iota3A, %broadcast_in_dim3A_21 : vector<256x4096xi1>, vector<256x4096xi32>
    %reduce_min3A_23 = arith.constant dense<2147483647> : vector<256xi32>
    %reduce_min3A_24 = vector.multi_reduction <minsi>, %select_n3A_22, %reduce_min3A_23 [1] : vector<256x4096xi32> to vector<256xi32>
    %broadcast_in_dim3A_25 = vector.shape_cast %reduce_min3A_24 : vector<256xi32> to vector<256x1xi32>
    %eq3A_26 = vector.broadcast %broadcast_in_dim3A_25 : vector<256x1xi32> to vector<256x4096xi32>
    %eq3A_27 = arith.cmpi eq, %iota3A, %eq3A_26 : vector<256x4096xi32>
    %jit3A_28 = arith.constant 3.400000e+38 : f32
    %broadcast_in_dim3A_29 = vector.broadcast %jit3A_28 : f32 to vector<256x4096xf32>
    %select_n3A_30 = arith.select %eq3A_27, %broadcast_in_dim3A_29, %select_n3A_14 : vector<256x4096xi1>, vector<256x4096xf32>
    %reduce_min3A_31 = arith.constant dense<0x7F800000> : vector<256xf32>
    %reduce_min3A_32 = vector.multi_reduction <minimumf>, %select_n3A_30, %reduce_min3A_31 [1] : vector<256x4096xf32> to vector<256xf32>
    %broadcast_in_dim3A_33 = vector.shape_cast %reduce_min3A_32 : vector<256xf32> to vector<256x1xf32>
    %eq3A_34 = vector.broadcast %broadcast_in_dim3A_33 : vector<256x1xf32> to vector<256x4096xf32>
    %eq3A_35 = arith.cmpf oeq, %select_n3A_30, %eq3A_34 : vector<256x4096xf32>
    %jit3A_36 = arith.constant 4096 : i32
    %broadcast_in_dim3A_37 = vector.broadcast %jit3A_36 : i32 to vector<256x4096xi32>
    %select_n3A_38 = arith.select %eq3A_35, %iota3A, %broadcast_in_dim3A_37 : vector<256x4096xi1>, vector<256x4096xi32>
    %reduce_min3A_39 = arith.constant dense<2147483647> : vector<256xi32>
    %reduce_min3A_40 = vector.multi_reduction <minsi>, %select_n3A_38, %reduce_min3A_39 [1] : vector<256x4096xi32> to vector<256xi32>
    %broadcast_in_dim3A_41 = vector.shape_cast %reduce_min3A_40 : vector<256xi32> to vector<256x1xi32>
    %eq3A_42 = vector.broadcast %broadcast_in_dim3A_41 : vector<256x1xi32> to vector<256x4096xi32>
    %eq3A_43 = arith.cmpi eq, %iota3A, %eq3A_42 : vector<256x4096xi32>
    %jit3A_44 = arith.constant 3.400000e+38 : f32
    %broadcast_in_dim3A_45 = vector.broadcast %jit3A_44 : f32 to vector<256x4096xf32>
    %select_n3A_46 = arith.select %eq3A_43, %broadcast_in_dim3A_45, %select_n3A_30 : vector<256x4096xi1>, vector<256x4096xf32>
    %reduce_min3A_47 = arith.constant dense<0x7F800000> : vector<256xf32>
    %reduce_min3A_48 = vector.multi_reduction <minimumf>, %select_n3A_46, %reduce_min3A_47 [1] : vector<256x4096xf32> to vector<256xf32>
    %broadcast_in_dim3A_49 = vector.shape_cast %reduce_min3A_48 : vector<256xf32> to vector<256x1xf32>
    %eq3A_50 = vector.broadcast %broadcast_in_dim3A_49 : vector<256x1xf32> to vector<256x4096xf32>
    %eq3A_51 = arith.cmpf oeq, %select_n3A_46, %eq3A_50 : vector<256x4096xf32>
    %jit3A_52 = arith.constant 4096 : i32
    %broadcast_in_dim3A_53 = vector.broadcast %jit3A_52 : i32 to vector<256x4096xi32>
    %select_n3A_54 = arith.select %eq3A_51, %iota3A, %broadcast_in_dim3A_53 : vector<256x4096xi1>, vector<256x4096xi32>
    %reduce_min3A_55 = arith.constant dense<2147483647> : vector<256xi32>
    %reduce_min3A_56 = vector.multi_reduction <minsi>, %select_n3A_54, %reduce_min3A_55 [1] : vector<256x4096xi32> to vector<256xi32>
    %broadcast_in_dim3A_57 = vector.shape_cast %reduce_min3A_56 : vector<256xi32> to vector<256x1xi32>
    %eq3A_58 = vector.broadcast %broadcast_in_dim3A_57 : vector<256x1xi32> to vector<256x4096xi32>
    %eq3A_59 = arith.cmpi eq, %iota3A, %eq3A_58 : vector<256x4096xi32>
    %jit3A_60 = arith.constant 3.400000e+38 : f32
    %broadcast_in_dim3A_61 = vector.broadcast %jit3A_60 : f32 to vector<256x4096xf32>
    %select_n3A_62 = arith.select %eq3A_59, %broadcast_in_dim3A_61, %select_n3A_46 : vector<256x4096xi1>, vector<256x4096xf32>
    %reduce_min3A_63 = arith.constant dense<0x7F800000> : vector<256xf32>
    %reduce_min3A_64 = vector.multi_reduction <minimumf>, %select_n3A_62, %reduce_min3A_63 [1] : vector<256x4096xf32> to vector<256xf32>
    %broadcast_in_dim3A_65 = vector.shape_cast %reduce_min3A_64 : vector<256xf32> to vector<256x1xf32>
    %eq3A_66 = vector.broadcast %broadcast_in_dim3A_65 : vector<256x1xf32> to vector<256x4096xf32>
    %eq3A_67 = arith.cmpf oeq, %select_n3A_62, %eq3A_66 : vector<256x4096xf32>
    %jit3A_68 = arith.constant 4096 : i32
    %broadcast_in_dim3A_69 = vector.broadcast %jit3A_68 : i32 to vector<256x4096xi32>
    %select_n3A_70 = arith.select %eq3A_67, %iota3A, %broadcast_in_dim3A_69 : vector<256x4096xi1>, vector<256x4096xi32>
    %reduce_min3A_71 = arith.constant dense<2147483647> : vector<256xi32>
    %reduce_min3A_72 = vector.multi_reduction <minsi>, %select_n3A_70, %reduce_min3A_71 [1] : vector<256x4096xi32> to vector<256xi32>
    %broadcast_in_dim3A_73 = vector.shape_cast %reduce_min3A_72 : vector<256xi32> to vector<256x1xi32>
    %eq3A_74 = vector.broadcast %broadcast_in_dim3A_73 : vector<256x1xi32> to vector<256x4096xi32>
    %eq3A_75 = arith.cmpi eq, %iota3A, %eq3A_74 : vector<256x4096xi32>
    %jit3A_76 = arith.constant 3.400000e+38 : f32
    %broadcast_in_dim3A_77 = vector.broadcast %jit3A_76 : f32 to vector<256x4096xf32>
    %select_n3A_78 = arith.select %eq3A_75, %broadcast_in_dim3A_77, %select_n3A_62 : vector<256x4096xi1>, vector<256x4096xf32>
    %reduce_min3A_79 = arith.constant dense<0x7F800000> : vector<256xf32>
    %reduce_min3A_80 = vector.multi_reduction <minimumf>, %select_n3A_78, %reduce_min3A_79 [1] : vector<256x4096xf32> to vector<256xf32>
    %broadcast_in_dim3A_81 = vector.shape_cast %reduce_min3A_80 : vector<256xf32> to vector<256x1xf32>
    %eq3A_82 = vector.broadcast %broadcast_in_dim3A_81 : vector<256x1xf32> to vector<256x4096xf32>
    %eq3A_83 = arith.cmpf oeq, %select_n3A_78, %eq3A_82 : vector<256x4096xf32>
    %jit3A_84 = arith.constant 4096 : i32
    %broadcast_in_dim3A_85 = vector.broadcast %jit3A_84 : i32 to vector<256x4096xi32>
    %select_n3A_86 = arith.select %eq3A_83, %iota3A, %broadcast_in_dim3A_85 : vector<256x4096xi1>, vector<256x4096xi32>
    %reduce_min3A_87 = arith.constant dense<2147483647> : vector<256xi32>
    %reduce_min3A_88 = vector.multi_reduction <minsi>, %select_n3A_86, %reduce_min3A_87 [1] : vector<256x4096xi32> to vector<256xi32>
    %broadcast_in_dim3A_89 = vector.shape_cast %reduce_min3A_88 : vector<256xi32> to vector<256x1xi32>
    %eq3A_90 = vector.broadcast %broadcast_in_dim3A_89 : vector<256x1xi32> to vector<256x4096xi32>
    %eq3A_91 = arith.cmpi eq, %iota3A, %eq3A_90 : vector<256x4096xi32>
    %jit3A_92 = arith.constant 3.400000e+38 : f32
    %broadcast_in_dim3A_93 = vector.broadcast %jit3A_92 : f32 to vector<256x4096xf32>
    %select_n3A_94 = arith.select %eq3A_91, %broadcast_in_dim3A_93, %select_n3A_78 : vector<256x4096xi1>, vector<256x4096xf32>
    %reduce_min3A_95 = arith.constant dense<0x7F800000> : vector<256xf32>
    %reduce_min3A_96 = vector.multi_reduction <minimumf>, %select_n3A_94, %reduce_min3A_95 [1] : vector<256x4096xf32> to vector<256xf32>
    %broadcast_in_dim3A_97 = vector.shape_cast %reduce_min3A_96 : vector<256xf32> to vector<256x1xf32>
    %eq3A_98 = vector.broadcast %broadcast_in_dim3A_97 : vector<256x1xf32> to vector<256x4096xf32>
    %eq3A_99 = arith.cmpf oeq, %select_n3A_94, %eq3A_98 : vector<256x4096xf32>
    %jit3A_100 = arith.constant 4096 : i32
    %broadcast_in_dim3A_101 = vector.broadcast %jit3A_100 : i32 to vector<256x4096xi32>
    %select_n3A_102 = arith.select %eq3A_99, %iota3A, %broadcast_in_dim3A_101 : vector<256x4096xi1>, vector<256x4096xi32>
    %reduce_min3A_103 = arith.constant dense<2147483647> : vector<256xi32>
    %reduce_min3A_104 = vector.multi_reduction <minsi>, %select_n3A_102, %reduce_min3A_103 [1] : vector<256x4096xi32> to vector<256xi32>
    %broadcast_in_dim3A_105 = vector.shape_cast %reduce_min3A_104 : vector<256xi32> to vector<256x1xi32>
    %eq3A_106 = vector.broadcast %broadcast_in_dim3A_105 : vector<256x1xi32> to vector<256x4096xi32>
    %eq3A_107 = arith.cmpi eq, %iota3A, %eq3A_106 : vector<256x4096xi32>
    %jit3A_108 = arith.constant 3.400000e+38 : f32
    %broadcast_in_dim3A_109 = vector.broadcast %jit3A_108 : f32 to vector<256x4096xf32>
    %select_n3A_110 = arith.select %eq3A_107, %broadcast_in_dim3A_109, %select_n3A_94 : vector<256x4096xi1>, vector<256x4096xf32>
    %reduce_min3A_111 = arith.constant dense<0x7F800000> : vector<256xf32>
    %reduce_min3A_112 = vector.multi_reduction <minimumf>, %select_n3A_110, %reduce_min3A_111 [1] : vector<256x4096xf32> to vector<256xf32>
    %broadcast_in_dim3A_113 = vector.shape_cast %reduce_min3A_112 : vector<256xf32> to vector<256x1xf32>
    %eq3A_114 = vector.broadcast %broadcast_in_dim3A_113 : vector<256x1xf32> to vector<256x4096xf32>
    %eq3A_115 = arith.cmpf oeq, %select_n3A_110, %eq3A_114 : vector<256x4096xf32>
    %jit3A_116 = arith.constant 4096 : i32
    %broadcast_in_dim3A_117 = vector.broadcast %jit3A_116 : i32 to vector<256x4096xi32>
    %select_n3A_118 = arith.select %eq3A_115, %iota3A, %broadcast_in_dim3A_117 : vector<256x4096xi1>, vector<256x4096xi32>
    %reduce_min3A_119 = arith.constant dense<2147483647> : vector<256xi32>
    %reduce_min3A_120 = vector.multi_reduction <minsi>, %select_n3A_118, %reduce_min3A_119 [1] : vector<256x4096xi32> to vector<256xi32>
    %broadcast_in_dim3A_121 = vector.shape_cast %reduce_min3A_120 : vector<256xi32> to vector<256x1xi32>
    %eq3A_122 = vector.broadcast %broadcast_in_dim3A_121 : vector<256x1xi32> to vector<256x4096xi32>
    %eq3A_123 = arith.cmpi eq, %iota3A, %eq3A_122 : vector<256x4096xi32>
    %jit3A_124 = arith.constant 3.400000e+38 : f32
    %broadcast_in_dim3A_125 = vector.broadcast %jit3A_124 : f32 to vector<256x4096xf32>
    %select_n3A_126 = arith.select %eq3A_123, %broadcast_in_dim3A_125, %select_n3A_110 : vector<256x4096xi1>, vector<256x4096xf32>
    %reduce_min3A_127 = arith.constant dense<0x7F800000> : vector<256xf32>
    %reduce_min3A_128 = vector.multi_reduction <minimumf>, %select_n3A_126, %reduce_min3A_127 [1] : vector<256x4096xf32> to vector<256xf32>
    %broadcast_in_dim3A_129 = vector.shape_cast %reduce_min3A_128 : vector<256xf32> to vector<256x1xf32>
    %eq3A_130 = vector.broadcast %broadcast_in_dim3A_129 : vector<256x1xf32> to vector<256x4096xf32>
    %eq3A_131 = arith.cmpf oeq, %select_n3A_126, %eq3A_130 : vector<256x4096xf32>
    %jit3A_132 = arith.constant 4096 : i32
    %broadcast_in_dim3A_133 = vector.broadcast %jit3A_132 : i32 to vector<256x4096xi32>
    %select_n3A_134 = arith.select %eq3A_131, %iota3A, %broadcast_in_dim3A_133 : vector<256x4096xi1>, vector<256x4096xi32>
    %reduce_min3A_135 = arith.constant dense<2147483647> : vector<256xi32>
    %reduce_min3A_136 = vector.multi_reduction <minsi>, %select_n3A_134, %reduce_min3A_135 [1] : vector<256x4096xi32> to vector<256xi32>
    %broadcast_in_dim3A_137 = vector.shape_cast %reduce_min3A_136 : vector<256xi32> to vector<256x1xi32>
    %eq3A_138 = vector.broadcast %broadcast_in_dim3A_137 : vector<256x1xi32> to vector<256x4096xi32>
    %eq3A_139 = arith.cmpi eq, %iota3A, %eq3A_138 : vector<256x4096xi32>
    %jit3A_140 = arith.constant 3.400000e+38 : f32
    %broadcast_in_dim3A_141 = vector.broadcast %jit3A_140 : f32 to vector<256x4096xf32>
    %select_n3A_142 = arith.select %eq3A_139, %broadcast_in_dim3A_141, %select_n3A_126 : vector<256x4096xi1>, vector<256x4096xf32>
    %reduce_min3A_143 = arith.constant dense<0x7F800000> : vector<256xf32>
    %reduce_min3A_144 = vector.multi_reduction <minimumf>, %select_n3A_142, %reduce_min3A_143 [1] : vector<256x4096xf32> to vector<256xf32>
    %broadcast_in_dim3A_145 = vector.shape_cast %reduce_min3A_144 : vector<256xf32> to vector<256x1xf32>
    %eq3A_146 = vector.broadcast %broadcast_in_dim3A_145 : vector<256x1xf32> to vector<256x4096xf32>
    %eq3A_147 = arith.cmpf oeq, %select_n3A_142, %eq3A_146 : vector<256x4096xf32>
    %jit3A_148 = arith.constant 4096 : i32
    %broadcast_in_dim3A_149 = vector.broadcast %jit3A_148 : i32 to vector<256x4096xi32>
    %select_n3A_150 = arith.select %eq3A_147, %iota3A, %broadcast_in_dim3A_149 : vector<256x4096xi1>, vector<256x4096xi32>
    %reduce_min3A_151 = arith.constant dense<2147483647> : vector<256xi32>
    %reduce_min3A_152 = vector.multi_reduction <minsi>, %select_n3A_150, %reduce_min3A_151 [1] : vector<256x4096xi32> to vector<256xi32>
    %broadcast_in_dim3A_153 = vector.shape_cast %reduce_min3A_152 : vector<256xi32> to vector<256x1xi32>
    %eq3A_154 = vector.broadcast %broadcast_in_dim3A_153 : vector<256x1xi32> to vector<256x4096xi32>
    %eq3A_155 = arith.cmpi eq, %iota3A, %eq3A_154 : vector<256x4096xi32>
    %jit3A_156 = arith.constant 3.400000e+38 : f32
    %broadcast_in_dim3A_157 = vector.broadcast %jit3A_156 : f32 to vector<256x4096xf32>
    %select_n3A_158 = arith.select %eq3A_155, %broadcast_in_dim3A_157, %select_n3A_142 : vector<256x4096xi1>, vector<256x4096xf32>
    %reduce_min3A_159 = arith.constant dense<0x7F800000> : vector<256xf32>
    %reduce_min3A_160 = vector.multi_reduction <minimumf>, %select_n3A_158, %reduce_min3A_159 [1] : vector<256x4096xf32> to vector<256xf32>
    %broadcast_in_dim3A_161 = vector.shape_cast %reduce_min3A_160 : vector<256xf32> to vector<256x1xf32>
    %eq3A_162 = vector.broadcast %broadcast_in_dim3A_161 : vector<256x1xf32> to vector<256x4096xf32>
    %eq3A_163 = arith.cmpf oeq, %select_n3A_158, %eq3A_162 : vector<256x4096xf32>
    %jit3A_164 = arith.constant 4096 : i32
    %broadcast_in_dim3A_165 = vector.broadcast %jit3A_164 : i32 to vector<256x4096xi32>
    %select_n3A_166 = arith.select %eq3A_163, %iota3A, %broadcast_in_dim3A_165 : vector<256x4096xi1>, vector<256x4096xi32>
    %reduce_min3A_167 = arith.constant dense<2147483647> : vector<256xi32>
    %reduce_min3A_168 = vector.multi_reduction <minsi>, %select_n3A_166, %reduce_min3A_167 [1] : vector<256x4096xi32> to vector<256xi32>
    %broadcast_in_dim3A_169 = vector.shape_cast %reduce_min3A_168 : vector<256xi32> to vector<256x1xi32>
    %eq3A_170 = vector.broadcast %broadcast_in_dim3A_169 : vector<256x1xi32> to vector<256x4096xi32>
    %eq3A_171 = arith.cmpi eq, %iota3A, %eq3A_170 : vector<256x4096xi32>
    %jit3A_172 = arith.constant 3.400000e+38 : f32
    %broadcast_in_dim3A_173 = vector.broadcast %jit3A_172 : f32 to vector<256x4096xf32>
    %select_n3A_174 = arith.select %eq3A_171, %broadcast_in_dim3A_173, %select_n3A_158 : vector<256x4096xi1>, vector<256x4096xf32>
    %reduce_min3A_175 = arith.constant dense<0x7F800000> : vector<256xf32>
    %reduce_min3A_176 = vector.multi_reduction <minimumf>, %select_n3A_174, %reduce_min3A_175 [1] : vector<256x4096xf32> to vector<256xf32>
    %broadcast_in_dim3A_177 = vector.shape_cast %reduce_min3A_176 : vector<256xf32> to vector<256x1xf32>
    %eq3A_178 = vector.broadcast %broadcast_in_dim3A_177 : vector<256x1xf32> to vector<256x4096xf32>
    %eq3A_179 = arith.cmpf oeq, %select_n3A_174, %eq3A_178 : vector<256x4096xf32>
    %jit3A_180 = arith.constant 4096 : i32
    %broadcast_in_dim3A_181 = vector.broadcast %jit3A_180 : i32 to vector<256x4096xi32>
    %select_n3A_182 = arith.select %eq3A_179, %iota3A, %broadcast_in_dim3A_181 : vector<256x4096xi1>, vector<256x4096xi32>
    %reduce_min3A_183 = arith.constant dense<2147483647> : vector<256xi32>
    %reduce_min3A_184 = vector.multi_reduction <minsi>, %select_n3A_182, %reduce_min3A_183 [1] : vector<256x4096xi32> to vector<256xi32>
    %broadcast_in_dim3A_185 = vector.shape_cast %reduce_min3A_184 : vector<256xi32> to vector<256x1xi32>
    %eq3A_186 = vector.broadcast %broadcast_in_dim3A_185 : vector<256x1xi32> to vector<256x4096xi32>
    %eq3A_187 = arith.cmpi eq, %iota3A, %eq3A_186 : vector<256x4096xi32>
    %jit3A_188 = arith.constant 3.400000e+38 : f32
    %broadcast_in_dim3A_189 = vector.broadcast %jit3A_188 : f32 to vector<256x4096xf32>
    %select_n3A_190 = arith.select %eq3A_187, %broadcast_in_dim3A_189, %select_n3A_174 : vector<256x4096xi1>, vector<256x4096xf32>
    %reduce_min3A_191 = arith.constant dense<0x7F800000> : vector<256xf32>
    %reduce_min3A_192 = vector.multi_reduction <minimumf>, %select_n3A_190, %reduce_min3A_191 [1] : vector<256x4096xf32> to vector<256xf32>
    %broadcast_in_dim3A_193 = vector.shape_cast %reduce_min3A_192 : vector<256xf32> to vector<256x1xf32>
    %eq3A_194 = vector.broadcast %broadcast_in_dim3A_193 : vector<256x1xf32> to vector<256x4096xf32>
    %eq3A_195 = arith.cmpf oeq, %select_n3A_190, %eq3A_194 : vector<256x4096xf32>
    %jit3A_196 = arith.constant 4096 : i32
    %broadcast_in_dim3A_197 = vector.broadcast %jit3A_196 : i32 to vector<256x4096xi32>
    %select_n3A_198 = arith.select %eq3A_195, %iota3A, %broadcast_in_dim3A_197 : vector<256x4096xi1>, vector<256x4096xi32>
    %reduce_min3A_199 = arith.constant dense<2147483647> : vector<256xi32>
    %reduce_min3A_200 = vector.multi_reduction <minsi>, %select_n3A_198, %reduce_min3A_199 [1] : vector<256x4096xi32> to vector<256xi32>
    %broadcast_in_dim3A_201 = vector.shape_cast %reduce_min3A_200 : vector<256xi32> to vector<256x1xi32>
    %eq3A_202 = vector.broadcast %broadcast_in_dim3A_201 : vector<256x1xi32> to vector<256x4096xi32>
    %eq3A_203 = arith.cmpi eq, %iota3A, %eq3A_202 : vector<256x4096xi32>
    %jit3A_204 = arith.constant 3.400000e+38 : f32
    %broadcast_in_dim3A_205 = vector.broadcast %jit3A_204 : f32 to vector<256x4096xf32>
    %select_n3A_206 = arith.select %eq3A_203, %broadcast_in_dim3A_205, %select_n3A_190 : vector<256x4096xi1>, vector<256x4096xf32>
    %reduce_min3A_207 = arith.constant dense<0x7F800000> : vector<256xf32>
    %reduce_min3A_208 = vector.multi_reduction <minimumf>, %select_n3A_206, %reduce_min3A_207 [1] : vector<256x4096xf32> to vector<256xf32>
    %broadcast_in_dim3A_209 = vector.shape_cast %reduce_min3A_208 : vector<256xf32> to vector<256x1xf32>
    %eq3A_210 = vector.broadcast %broadcast_in_dim3A_209 : vector<256x1xf32> to vector<256x4096xf32>
    %eq3A_211 = arith.cmpf oeq, %select_n3A_206, %eq3A_210 : vector<256x4096xf32>
    %jit3A_212 = arith.constant 4096 : i32
    %broadcast_in_dim3A_213 = vector.broadcast %jit3A_212 : i32 to vector<256x4096xi32>
    %select_n3A_214 = arith.select %eq3A_211, %iota3A, %broadcast_in_dim3A_213 : vector<256x4096xi1>, vector<256x4096xi32>
    %reduce_min3A_215 = arith.constant dense<2147483647> : vector<256xi32>
    %reduce_min3A_216 = vector.multi_reduction <minsi>, %select_n3A_214, %reduce_min3A_215 [1] : vector<256x4096xi32> to vector<256xi32>
    %broadcast_in_dim3A_217 = vector.shape_cast %reduce_min3A_216 : vector<256xi32> to vector<256x1xi32>
    %eq3A_218 = vector.broadcast %broadcast_in_dim3A_217 : vector<256x1xi32> to vector<256x4096xi32>
    %eq3A_219 = arith.cmpi eq, %iota3A, %eq3A_218 : vector<256x4096xi32>
    %jit3A_220 = arith.constant 3.400000e+38 : f32
    %broadcast_in_dim3A_221 = vector.broadcast %jit3A_220 : f32 to vector<256x4096xf32>
    %select_n3A_222 = arith.select %eq3A_219, %broadcast_in_dim3A_221, %select_n3A_206 : vector<256x4096xi1>, vector<256x4096xf32>
    %reduce_min3A_223 = arith.constant dense<0x7F800000> : vector<256xf32>
    %reduce_min3A_224 = vector.multi_reduction <minimumf>, %select_n3A_222, %reduce_min3A_223 [1] : vector<256x4096xf32> to vector<256xf32>
    %broadcast_in_dim3A_225 = vector.shape_cast %reduce_min3A_224 : vector<256xf32> to vector<256x1xf32>
    %eq3A_226 = vector.broadcast %broadcast_in_dim3A_225 : vector<256x1xf32> to vector<256x4096xf32>
    %eq3A_227 = arith.cmpf oeq, %select_n3A_222, %eq3A_226 : vector<256x4096xf32>
    %jit3A_228 = arith.constant 4096 : i32
    %broadcast_in_dim3A_229 = vector.broadcast %jit3A_228 : i32 to vector<256x4096xi32>
    %select_n3A_230 = arith.select %eq3A_227, %iota3A, %broadcast_in_dim3A_229 : vector<256x4096xi1>, vector<256x4096xi32>
    %reduce_min3A_231 = arith.constant dense<2147483647> : vector<256xi32>
    %reduce_min3A_232 = vector.multi_reduction <minsi>, %select_n3A_230, %reduce_min3A_231 [1] : vector<256x4096xi32> to vector<256xi32>
    %broadcast_in_dim3A_233 = vector.shape_cast %reduce_min3A_232 : vector<256xi32> to vector<256x1xi32>
    %eq3A_234 = vector.broadcast %broadcast_in_dim3A_233 : vector<256x1xi32> to vector<256x4096xi32>
    %eq3A_235 = arith.cmpi eq, %iota3A, %eq3A_234 : vector<256x4096xi32>
    %jit3A_236 = arith.constant 3.400000e+38 : f32
    %broadcast_in_dim3A_237 = vector.broadcast %jit3A_236 : f32 to vector<256x4096xf32>
    %select_n3A_238 = arith.select %eq3A_235, %broadcast_in_dim3A_237, %select_n3A_222 : vector<256x4096xi1>, vector<256x4096xf32>
    %reduce_min3A_239 = arith.constant dense<0x7F800000> : vector<256xf32>
    %reduce_min3A_240 = vector.multi_reduction <minimumf>, %select_n3A_238, %reduce_min3A_239 [1] : vector<256x4096xf32> to vector<256xf32>
    %broadcast_in_dim3A_241 = vector.shape_cast %reduce_min3A_240 : vector<256xf32> to vector<256x1xf32>
    %eq3A_242 = vector.broadcast %broadcast_in_dim3A_241 : vector<256x1xf32> to vector<256x4096xf32>
    %eq3A_243 = arith.cmpf oeq, %select_n3A_238, %eq3A_242 : vector<256x4096xf32>
    %jit3A_244 = arith.constant 4096 : i32
    %broadcast_in_dim3A_245 = vector.broadcast %jit3A_244 : i32 to vector<256x4096xi32>
    %select_n3A_246 = arith.select %eq3A_243, %iota3A, %broadcast_in_dim3A_245 : vector<256x4096xi1>, vector<256x4096xi32>
    %reduce_min3A_247 = arith.constant dense<2147483647> : vector<256xi32>
    %reduce_min3A_248 = vector.multi_reduction <minsi>, %select_n3A_246, %reduce_min3A_247 [1] : vector<256x4096xi32> to vector<256xi32>
    %broadcast_in_dim3A_249 = vector.shape_cast %reduce_min3A_248 : vector<256xi32> to vector<256x1xi32>
    %eq3A_250 = vector.broadcast %broadcast_in_dim3A_249 : vector<256x1xi32> to vector<256x4096xi32>
    %eq3A_251 = arith.cmpi eq, %iota3A, %eq3A_250 : vector<256x4096xi32>
    %jit3A_252 = arith.constant 3.400000e+38 : f32
    %broadcast_in_dim3A_253 = vector.broadcast %jit3A_252 : f32 to vector<256x4096xf32>
    %select_n3A_254 = arith.select %eq3A_251, %broadcast_in_dim3A_253, %select_n3A_238 : vector<256x4096xi1>, vector<256x4096xf32>
    %reduce_min3A_255 = arith.constant dense<0x7F800000> : vector<256xf32>
    %reduce_min3A_256 = vector.multi_reduction <minimumf>, %select_n3A_254, %reduce_min3A_255 [1] : vector<256x4096xf32> to vector<256xf32>
    %broadcast_in_dim3A_257 = vector.shape_cast %reduce_min3A_256 : vector<256xf32> to vector<256x1xf32>
    %eq3A_258 = vector.broadcast %broadcast_in_dim3A_257 : vector<256x1xf32> to vector<256x4096xf32>
    %eq3A_259 = arith.cmpf oeq, %select_n3A_254, %eq3A_258 : vector<256x4096xf32>
    %jit3A_260 = arith.constant 4096 : i32
    %broadcast_in_dim3A_261 = vector.broadcast %jit3A_260 : i32 to vector<256x4096xi32>
    %select_n3A_262 = arith.select %eq3A_259, %iota3A, %broadcast_in_dim3A_261 : vector<256x4096xi1>, vector<256x4096xi32>
    %reduce_min3A_263 = arith.constant dense<2147483647> : vector<256xi32>
    %reduce_min3A_264 = vector.multi_reduction <minsi>, %select_n3A_262, %reduce_min3A_263 [1] : vector<256x4096xi32> to vector<256xi32>
    %broadcast_in_dim3A_265 = vector.shape_cast %reduce_min3A_264 : vector<256xi32> to vector<256x1xi32>
    %eq3A_266 = vector.broadcast %broadcast_in_dim3A_265 : vector<256x1xi32> to vector<256x4096xi32>
    %eq3A_267 = arith.cmpi eq, %iota3A, %eq3A_266 : vector<256x4096xi32>
    %jit3A_268 = arith.constant 3.400000e+38 : f32
    %broadcast_in_dim3A_269 = vector.broadcast %jit3A_268 : f32 to vector<256x4096xf32>
    %select_n3A_270 = arith.select %eq3A_267, %broadcast_in_dim3A_269, %select_n3A_254 : vector<256x4096xi1>, vector<256x4096xf32>
    %reduce_min3A_271 = arith.constant dense<0x7F800000> : vector<256xf32>
    %reduce_min3A_272 = vector.multi_reduction <minimumf>, %select_n3A_270, %reduce_min3A_271 [1] : vector<256x4096xf32> to vector<256xf32>
    %broadcast_in_dim3A_273 = vector.shape_cast %reduce_min3A_272 : vector<256xf32> to vector<256x1xf32>
    %eq3A_274 = vector.broadcast %broadcast_in_dim3A_273 : vector<256x1xf32> to vector<256x4096xf32>
    %eq3A_275 = arith.cmpf oeq, %select_n3A_270, %eq3A_274 : vector<256x4096xf32>
    %jit3A_276 = arith.constant 4096 : i32
    %broadcast_in_dim3A_277 = vector.broadcast %jit3A_276 : i32 to vector<256x4096xi32>
    %select_n3A_278 = arith.select %eq3A_275, %iota3A, %broadcast_in_dim3A_277 : vector<256x4096xi1>, vector<256x4096xi32>
    %reduce_min3A_279 = arith.constant dense<2147483647> : vector<256xi32>
    %reduce_min3A_280 = vector.multi_reduction <minsi>, %select_n3A_278, %reduce_min3A_279 [1] : vector<256x4096xi32> to vector<256xi32>
    %broadcast_in_dim3A_281 = vector.shape_cast %reduce_min3A_280 : vector<256xi32> to vector<256x1xi32>
    %eq3A_282 = vector.broadcast %broadcast_in_dim3A_281 : vector<256x1xi32> to vector<256x4096xi32>
    %eq3A_283 = arith.cmpi eq, %iota3A, %eq3A_282 : vector<256x4096xi32>
    %jit3A_284 = arith.constant 3.400000e+38 : f32
    %broadcast_in_dim3A_285 = vector.broadcast %jit3A_284 : f32 to vector<256x4096xf32>
    %select_n3A_286 = arith.select %eq3A_283, %broadcast_in_dim3A_285, %select_n3A_270 : vector<256x4096xi1>, vector<256x4096xf32>
    %reduce_min3A_287 = arith.constant dense<0x7F800000> : vector<256xf32>
    %reduce_min3A_288 = vector.multi_reduction <minimumf>, %select_n3A_286, %reduce_min3A_287 [1] : vector<256x4096xf32> to vector<256xf32>
    %broadcast_in_dim3A_289 = vector.shape_cast %reduce_min3A_288 : vector<256xf32> to vector<256x1xf32>
    %eq3A_290 = vector.broadcast %broadcast_in_dim3A_289 : vector<256x1xf32> to vector<256x4096xf32>
    %eq3A_291 = arith.cmpf oeq, %select_n3A_286, %eq3A_290 : vector<256x4096xf32>
    %jit3A_292 = arith.constant 4096 : i32
    %broadcast_in_dim3A_293 = vector.broadcast %jit3A_292 : i32 to vector<256x4096xi32>
    %select_n3A_294 = arith.select %eq3A_291, %iota3A, %broadcast_in_dim3A_293 : vector<256x4096xi1>, vector<256x4096xi32>
    %reduce_min3A_295 = arith.constant dense<2147483647> : vector<256xi32>
    %reduce_min3A_296 = vector.multi_reduction <minsi>, %select_n3A_294, %reduce_min3A_295 [1] : vector<256x4096xi32> to vector<256xi32>
    %broadcast_in_dim3A_297 = vector.shape_cast %reduce_min3A_296 : vector<256xi32> to vector<256x1xi32>
    %eq3A_298 = vector.broadcast %broadcast_in_dim3A_297 : vector<256x1xi32> to vector<256x4096xi32>
    %eq3A_299 = arith.cmpi eq, %iota3A, %eq3A_298 : vector<256x4096xi32>
    %jit3A_300 = arith.constant 3.400000e+38 : f32
    %broadcast_in_dim3A_301 = vector.broadcast %jit3A_300 : f32 to vector<256x4096xf32>
    %select_n3A_302 = arith.select %eq3A_299, %broadcast_in_dim3A_301, %select_n3A_286 : vector<256x4096xi1>, vector<256x4096xf32>
    %reduce_min3A_303 = arith.constant dense<0x7F800000> : vector<256xf32>
    %reduce_min3A_304 = vector.multi_reduction <minimumf>, %select_n3A_302, %reduce_min3A_303 [1] : vector<256x4096xf32> to vector<256xf32>
    %broadcast_in_dim3A_305 = vector.shape_cast %reduce_min3A_304 : vector<256xf32> to vector<256x1xf32>
    %eq3A_306 = vector.broadcast %broadcast_in_dim3A_305 : vector<256x1xf32> to vector<256x4096xf32>
    %eq3A_307 = arith.cmpf oeq, %select_n3A_302, %eq3A_306 : vector<256x4096xf32>
    %jit3A_308 = arith.constant 4096 : i32
    %broadcast_in_dim3A_309 = vector.broadcast %jit3A_308 : i32 to vector<256x4096xi32>
    %select_n3A_310 = arith.select %eq3A_307, %iota3A, %broadcast_in_dim3A_309 : vector<256x4096xi1>, vector<256x4096xi32>
    %reduce_min3A_311 = arith.constant dense<2147483647> : vector<256xi32>
    %reduce_min3A_312 = vector.multi_reduction <minsi>, %select_n3A_310, %reduce_min3A_311 [1] : vector<256x4096xi32> to vector<256xi32>
    %broadcast_in_dim3A_313 = vector.shape_cast %reduce_min3A_312 : vector<256xi32> to vector<256x1xi32>
    %concatenate3A = tpu.concatenate %broadcast_in_dim3A_9, %broadcast_in_dim3A_25, %broadcast_in_dim3A_41, %broadcast_in_dim3A_57, %broadcast_in_dim3A_73, %broadcast_in_dim3A_89, %broadcast_in_dim3A_105, %broadcast_in_dim3A_121, %broadcast_in_dim3A_137, %broadcast_in_dim3A_153, %broadcast_in_dim3A_169, %broadcast_in_dim3A_185, %broadcast_in_dim3A_201, %broadcast_in_dim3A_217, %broadcast_in_dim3A_233, %broadcast_in_dim3A_249, %broadcast_in_dim3A_265, %broadcast_in_dim3A_281, %broadcast_in_dim3A_297, %broadcast_in_dim3A_313 in 1 : vector<256x1xi32>, vector<256x1xi32>, vector<256x1xi32>, vector<256x1xi32>, vector<256x1xi32>, vector<256x1xi32>, vector<256x1xi32>, vector<256x1xi32>, vector<256x1xi32>, vector<256x1xi32>, vector<256x1xi32>, vector<256x1xi32>, vector<256x1xi32>, vector<256x1xi32>, vector<256x1xi32>, vector<256x1xi32>, vector<256x1xi32>, vector<256x1xi32>, vector<256x1xi32>, vector<256x1xi32> -> vector<256x20xi32>
    %mul3A = arith.constant 4096 : i32
    %mul3A_314 = arith.muli %arg0, %mul3A : i32
    %add3A = vector.broadcast %mul3A_314 : i32 to vector<256x20xi32>
    %add3A_315 = arith.addi %concatenate3A, %add3A : vector<256x20xi32>
    %swap3A = arith.constant 0 : index
    %swap3A_316 = arith.constant 0 : index
    %swap3A_317 = arith.constant 0 : index
    %swap3A_318 = vector.load %arg3[%swap3A, %swap3A_316, %swap3A_317] : memref<1x256x20xi32, #tpu.memory_space<vmem>>, vector<1x256x20xi32>
    %swap3A_319 = vector.shape_cast %swap3A_318 : vector<1x256x20xi32> to vector<256x20xi32>
    %swap3A_320 = vector.shape_cast %add3A_315 : vector<256x20xi32> to vector<1x256x20xi32>
    tpu.vector_store %arg3[%swap3A, %swap3A_316, %swap3A_317], %swap3A_320 {strides = array<i32>} : memref<1x256x20xi32, #tpu.memory_space<vmem>>, vector<1x256x20xi32>,
    return
  }
  func.func @transform_0(%arg0: i32, %arg1: i32) -> (i32, i32, i32) {
    %c0_i32 = arith.constant 0 : i32
    %c0_i32_0 = arith.constant 0 : i32
    return %arg0, %arg1, %c0_i32 : i32, i32, i32
  }
  func.func @transform_1(%arg0: i32, %arg1: i32) -> (i32, i32, i32) {
    %c0_i32 = arith.constant 0 : i32
    %c0_i32_0 = arith.constant 0 : i32
    return %arg0, %arg1, %c0_i32 : i32, i32, i32
  }
}

</mosaic_0001>

<sc_bundles>
// kernel: sparse-core-data-format-call.1.cloned.1.call-start
scs
called_computation.1_lowered:
.L_overlay_start_0:
0x0: {  	s1 =	sld [smem:$0x3FD9]  }
0x1: {  	s2 =	sld [smem:$0x3FFE];
	_ =	sdelay $0x1  }
0x2: {  	s3 =	srdreg.scid  }
0x3: {  	s0 =	sand.u32 $0x1, s3  }
0x4: {  	s17 =	sshll.u32 s0, $0xA;
	s1 =	sadd.s32 s2, s1  }
0x5: {  	s1 =	sadd.s32 s1, s17  }
0x6: {  	[smem:$0x3FB6] =	sst s1  }
0x7: {  	_ = 	snop  }
0x8: {  	(tm) =	ssettm $0x1  }
0x9: {  	s18 =	sld [smem:$0x3FFB];
	_ =	sdelay $0x3  }
0xa: {  	_ =	strace s18  }
0xb: {  	s1 =	sld [smem:$0x3FFC];
	_ =	sdelay $0x3  }
0xc: {  	_ =	strace s1  }
0xd: {  	s1 =	sld [smem:$0x3FFD];
	_ =	sdelay $0x3  }
0xe: {  	_ =	strace s1  }
0xf: {  	_ =	strace $0x8FFFFFFF  }
0x10: {  	s19 =	sld [smem:$0x3FDB];
	_ =	sdelay $0x1  }
0x11: {  	s20 =	simm.s32 $_scs_section_size  }
0x12: {  	s4 =	simm.s32 $_size__tile_overlayer_lowered;
	s5 =	simm.s32 $_tile_overlayer_lowered  }
0x13: {  	s23 =	simm.s32 $0x1BFF;
	s22 =	sshll.u32 s5, $0x1;
	s1 =	sadd.s32 s20, s19  }
0x14: {  	s6 =	simm.s32 $0x0;
	s21 =	sshll.u32 s4, $0x1;
	s4 =	sadd.s32 s22, s1  }
0x15: {  	[timem:s6], [sflag:s23] =	dma.local [hbm:s4], s21  }
0x16: {  	_ =	swait.ge [sflag:s23], s21  }
0x17: {  	s2 =	ssub.s32 $0x0, s21;
	[sflag:s23] =	ssyncset.done $0x0  }
0x18: {  	[sflag:s23] =	ssyncadd.s32 s2;
	_ =	sdelay $0x1  }
0x19: {  	s24 =	simm.s32 $0x1B8B  }
0x1a: {  	_ =	swait.ge [sflag:s24], $0x1  }
0x1b: {  	[sflag:s24] =	ssyncset.done $0x0  }
0x1c: {  	s26 =	simm.s32 $0x1B8E;
	s25 =	sld [smem:$0x3FFE];
	[sflag:s24] =	ssyncadd.s32 $0xFFFFFFFF  }
0x1d: {  	s27 =	simm.s32 $execute0_lowered;
	[smem:$0x3FD2] =	sst s26  }
0x1e: {  	s4 =	sshll.u32 s27, $0x1;
	_ =	strace $0x80000046;
	[dreg:$0x1] =	wrdreg $0xFFFFFFFF  }
0x1f: {  	s28 =	simm.s32 $_size_execute0_lowered;
	s1 =	sadd.s32 s1, s4;
	[dreg:$0x0] =	wrdreg $0x0  }
0x20: {  	s4 =	sshll.u32 s28, $0x1;
	[dreg:$0x2] =	wrdreg s1  }
0x21: {  	[dreg:$0x3] =	wrdreg s4  }
0x22: {  	[dreg:$0x4] =	wrdreg $0xC0  }
0x23: {  	_ =	task [dreg:s6], $0x5FFFF  }
0x24: {  	[dreg:$0x1] =	wrdreg $0xFFFFFFFF  }
0x25: {  	[dreg:$0x0] =	wrdreg $0x60  }
0x26: {  	[dreg:$0x2] =	wrdreg s25  }
0x27: {  	[dreg:$0x3] =	wrdreg $0x9  }
0x28: {  	_ =	task.clear_ibuf [dreg:s6], $0x4FFFF;
	_ =	strace $0x90000046  }
0x29: {  	s29 =	simm.s32 $0x9;
	_ =	strace $0x80000048  }
0x2a: {  	_ =	swait.ge [sflag:s29], $0x1  }
0x2b: {  	[sflag:s29] =	ssyncadd.s32 $0xFFFFFFFF  }
0x2c: {  	_ =	strace $0x90000048  }
0x2d: {  	_ =	sfence  }
0x2e: {  	s30 =	sld [smem:$0x0];
	_ =	sdelay $0x2  }
0x2f: {  	s31 =	sshll.u32 s3, $0xD;
	s3 =	sshrl.u32 s3, $0x2  }
0x30: {  	s2 =	sand.u32 $0x4000, s31;
	s1 =	sadd.s32 s3, s30  }
0x31: {  	s0 =	sor.u32 s2, s0;
	s1 =	sshll.u32 s1, $0x11  }
0x32: {  	s0 =	sor.u32 s1, s0  }
0x33: {  	s0 =	sadd.s32 $0x8F2B, s0  }
0x34: {  	[sflag:s0] =	ssyncadd.remote.s32 $0x1  }
0x35: {  	_ =	sfence.sel $0xFFFF  }
0x36: {  	[dreg:$0x0] =	wrdreg $0xFFFFFFFF;
	(pc) =	sbr.abs _section_cstart, $3  }
0x37: {  	[dreg:$0x1] =	wrdreg $0xFFFFFFFF  }
0x38: {  	_ =	task.clear_ibuf [dreg:s6], $0x2FFFF;
	_ =	strace $0x9FFFFFFF  }
0x39: {  	(tm) =	ssettm $0x7FFFFFFF  }
tec
execute0_lowered:
.L_overlay_start_1:
0x0: {  	(tag) =	ssettag $0x1  }
0x1: {  	s0 =	stileid.u32;
	s1 =	srdreg.scid  }
0x2: {  	s2 =	sshll.u32 s0, $0x6;
	s1 =	sshll.u32 s1, $0xA  }
0x3: {  	s1 =	sor.u32 s2, s1  }
0x4: {  	s7 =	rddreg [dreg:$0x0];
	s1 =	sand.u32 $0x780, s1  }
0x5: {  	s8 =	simm.s32 $0x2;
	s2 =	sand.u32 $0x1, s0;
	s3 =	ssub.s32 $0x1000, s1  }
0x6: {  	s14 =	simm.s32 $0x0;
	s4 =	ssub.s32 $0x2, s2;
	s5 =	sand.u32 $0x780, s3  }
0x7: {  	s6 =	sshrl.u32 s4, $0x1;
	p0 =	sne.s32 s5, $0x0;
	s5 =	simm.s32 $0x1  }
0x8: {  	s4 =	sand.u32 $0x1, s4;
	s3 =	sshrl.u32 s3, $0xB;
	s5 =	simm.s32 @!p0 $0x0  }
0x9: {  	s9 =	simm.s32 $0x8000;
	s4 =	sadd.s32 s4, s6;
	s5 =	sadd.s32 s5, s3  }
0xa: {  	s15 =	simm.s32 $0x0;
	s16 =	simm.s32 $0x0;
	s6 =	smul.u32 s5, s4  }
.Ltmp0:
0xb: {  	s10 =	simm.s32 $0x0;
	s13 =	simm.s32 $0x0;
	(pc) =	sbr.rel .LBB1_1-.Ltmp0, $4  }
0xc: {  	s12 =	smov.u32 s2;
	s11 =	smov.u32 s1;
	s3 =	rddreg [dreg:$0x1]  }
0xd: {  	_ =	strace $0x80000047;
	s5 =	simm.s32 $0x1;
	s6 =	smul.u32 $0x14, s6  }
0xe: {  	p0 =	por $0x0, $0x0;
	s4 =	sadd.s32 $0x3C2400, s7;
	[sflag:s5] =	ssyncpa.u1 $0x0  }
0xf: {  	s7 =	sadd.s32 $0x142400, s7;
	[sflag:s8] =	ssyncpa.u1 $0x0;
	s8 =	sor.u32 $0x1, s6  }
.LBB1_4:
0x10: {  	s16 =	smul.u32 $0xA0000, s16  }
0x11: {  	s19 =	sshll.u32 s15, $0x3;
	s20 =	sand.u32 $0x78, s15;
	s30 =	sand.u32 $0x7E00, s15  }
0x12: {  	s14 =	sshll.u32 s14, $0xF;
	s19 =	sand.u32 $0xC00, s19;
	s16 =	sadd.s32 s7, s16  }
0x13: {  	[tilespmem:s18+$0x810 ss:$0x81] =	vst.msk $0xffff, v2;
	s31 =	sand.u32 $0x7, s15;
	s19 =	sor.u32 s20, s19;
	s16 =	sadd.s32 s30, s16  }
0x14: {  	[tilespmem:s18+$0x1020 ss:$0x81] =	vst.msk $0xffff, v0;
	s15 =	sshll.u32 s31, $0x12;
	s19 =	sshrl.u32 s19, $0x3;
	s14 =	sadd.s32 s14, s16  }
0x15: {  	[tilespmem:s18+$0x0 ss:$0x81] =	vst.msk $0xffff, v1;
	s15 =	sor.u32 $0x400, s15;
	s14 =	sadd.s32 s19, s14  }
0x16: {  	[hbm4b:s14+s15] =	stream.strided.scatter [tilespmem:s17], [sflag:$0x2], $0x2000, s9, s15, $0x20;
	[tilespmem:$0x8080] =	vst v63  }
.LBB1_5:
0x17: {  	s17 =	sadd.s32 $0x1, s10  }
0x18: {  	s14 =	sadd.s32 $0x800, s11;
	s18 =	smov.u32 s11;
	p2 =	sgt.s32 s17, $0x13  }
0x19: {  	s18 =	smov.u32 @p2 s14  }
0x1a: {  	s20 =	smov.u32 s12;
	s14 =	sadd.s32 $0x2, s12;
	p3 =	sgt.s32 s18, $0xFFF  }
0x1b: {  	s20 =	smov.u32 @p3 s14  }
0x1c: {  	s17 =	simm.s32 @p2 $0x0;
	p2 =	sgt.s32 s20, $0x1  }
0x1d: {  	p1 =	slt.u32 s13, $0x2;
	s20 =	smov.u32 @p2 s2;
	p2 =	sne.s32 s13, s8  }
.Ltmp1:
0x1e: {  	s19 =	simm.s32 @!p1 $0x2;
	(pc) =	sbr.rel @!p2 .LBB1_6-.Ltmp1, $4  }
0x1f: {  	s15 =	smov.u32 s11;
	s16 =	smov.u32 s12;
	_ =	swait.ge @!p1 [sflag:s19], $0x2000  }
0x20: {  	p0 =	por !p0, !p0;
	[sflag:s19] =	ssyncset.done @!p1 $0x0;
	s18 =	smov.u32 @p3 s1  }
0x21: {  	s14 =	smov.u32 s10;
	[sflag:s19] =	ssyncadd.s32 @!p1 $0xFFFFE000;
	s10 =	smov.u32 s17  }
0x22: {  	s11 =	smov.u32 s18;
	s13 =	sadd.s32 $0x1, s13;
	s12 =	smov.u32 s20  }
.LBB1_1:
0x23: {  	p1 =	sge.u32 s13, s6  }
0x24: {  	s17 =	sand.u32 @!p1 $0x1FFFFFF, s10;
	s19 =	smul.u32 @!p1 $0x180000, s12  }
0x25: {  	s18 =	smulhi.u32 @!p1 $0xAAAAAAB, s17  }
0x26: {  	s21 =	smul.u32 @!p1 $0x180, s11  }
0x27: {  	s18 =	smul.u32 @!p1 $0x18, s18  }
0x28: {  	s31 =	sadd.s32 $0xFFFFFFFF, s13;
	s19 =	sadd.s32 @!p1 s4, s19  }
0x29: {  	s20 =	sxor.u32 @!p1 $0xFFFFFFFF, s13;
	s19 =	sadd.s32 @!p1 s21, s19;
	s17 =	ssub.s32 @!p1 s17, s18  }
0x2a: {  	s18 =	sshll.u32 @!p1 s20, $0xD;
	s20 =	simm.s32 @!p1 $0xC00;
	s17 =	sshll.u32 @!p1 s17, $0x4  }
0x2b: {  	s18 =	sand.u32 @!p1 $0x2000, s18;
	s17 =	sadd.s32 @!p1 s17, s19;
	s19 =	simm.s32 @!p1 $0x40  }
0x2c: {  	[tilespmem:s18], [sflag:$0x1] =	stream.strided.gather @!p1 [hbm4b:s17+s19], $0x2000, s20, s19, $0x38;
	[tilespmem:$0x8080] =	vst v63  }
0x2d: {  	p1 =	sge.u32 s31, s6  }
.Ltmp2:
0x2e: {  	_ = 	snop;
	(pc) =	sbr.rel @p1 .LBB1_5-.Ltmp2, $1  }
0x2f: {  	_ =	sdelay $0x3  }
0x30: {  	s17 =	simm.s32 $0x1  }
0x31: {  	_ =	swait.ge [sflag:s5], $0x2000;
	s17 =	simm.s32 @!p0 $0x0  }
0x32: {  	[sflag:s5] =	ssyncset.done $0x0;
	s18 =	sshll.u32 s17, $0xD  }
0x33: {  	[sflag:s5] =	ssyncadd.s32 $0xFFFFE000;
	s21 =	sor.u32 $0x20, s18  }
0x34: {  	s17 =	smul.u32 $0x8100, s17;
	v3 =	vld [tilespmem:s21+$0x10]  }
0x35: {  	s30 =	sand.u32 $0x1, s13;
	v2 =	vld [tilespmem:s21+$0xFFFFFFF0]  }
0x36: {  	s18 =	smul.u32 $0x8100, s30;
	s17 =	sshrl.u32 s17, $0x2;
	v0 =	vld [tilespmem:s21+$0x0]  }
0x37: {  	v1 =	vld [tilespmem:s21+$0xFFFFFFE0];
	s19 =	sor.u32 $0x4000, s17  }
0x38: {  	s31 =	sshrl.u32 s18, $0x2;
	s18 =	sadd.s32 $0x0, s19  }
0x39: {  	s20 =	simm.s32 $0x4;
	s21 =	sadd.s32 $0x40, s21;
	s17 =	sor.u32 $0x4000, s31;
	[tilespmem:s18+$0x1830 ss:$0x81] =	vst.msk $0xffff, v3  }
.LBB1_3:
0x3a: {  	v3 =	vld [tilespmem:s21+$0x10];
	p1 =	sne.s32 s20, $0x1FC;
	[tilespmem:s18+$0x810 ss:$0x81] =	vst.msk $0xffff, v2;
	s22 =	smov.u32 s20;
	s20 =	sadd.s32 $0x4, s20  }
.Ltmp3:
0x3b: {  	v2 =	vld [tilespmem:s21+$0xFFFFFFF0];
	[tilespmem:s18+$0x1020 ss:$0x81] =	vst.msk $0xffff, v0;
	(pc) =	sbr.rel @p1 .LBB1_3-.Ltmp3, $4  }
0x3c: {  	v0 =	vld [tilespmem:s21+$0x0];
	[tilespmem:s18+$0x0 ss:$0x81] =	vst.msk $0xffff, v1  }
0x3d: {  	s18 =	sshra.s32 s22, $0x2;
	v1 =	vld [tilespmem:s21+$0xFFFFFFE0]  }
0x3e: {  	s18 =	sadd.s32 s18, s19  }
0x3f: {  	s21 =	sadd.s32 $0x40, s21;
	[tilespmem:s18+$0x1830 ss:$0x81] =	vst.msk $0xffff, v3  }
.Ltmp4:
0x40: {  	_ = 	snop;
	(pc) =	sbr.rel .LBB1_4-.Ltmp4, $1  }
0x41: {  	_ =	sdelay $0x3  }
.LBB1_6:
0x42: {  	_ =	sfence.sel $0x180000  }
0x43: {  	s1 =	simm.s32 $0x1;
	[bflag:$0x0] =	sbarrier.arrive $0xFFFF  }
0x44: {  	s31 =	simm.s32 $0x2;
	[sflag:s1] =	ssyncpa.u1 $0x1  }
0x45: {  	[sflag:s31] =	ssyncpa.u1 $0x1  }
0x46: {  	p0 =	sne.s32 s0, $0x0;
	_ =	strace $0x90000047  }
0x47: {  	s0 =	sadd.s32 @!p0 $0x100000, s3;
	[bflag:$0x2] =	sbarrier.arrive $0xFFFF  }
0x48: {  	[sflag:s0] =	ssyncadd.tile.s32 @!p0 $0x1;
	_ =	shalt  }
.Lfunc_end1:
_tile_overlayer_lowered:
.L_overlay_start_2:
0x49: {  	(tag) =	ssettag $0x2  }
0x4a: {  	s0 =	rddreg [dreg:$0x0];
	s2 =	stileid.u32  }
0x4b: {  	s1 =	rddreg [dreg:$0x1];
	p0 =	sne.s32 s2, $0x0  }
0x4c: {  	s3 =	rddreg [dreg:$0x2];
	[bflag:$0x3] =	sbarrier.arrive $0xFFFF;
	s2 =	simm.s32 @!p0 $0x1C01  }
0x4d: {  	[timem:s3], [sflag:s2] =	dma.local @!p0 [hbm:s0], s1  }
0x4e: {  	s0 =	simm.s32 @!p0 $0x1  }
0x4f: {  	_ =	swait.ge @!p0 [sflag:s0], s1  }
0x50: {  	s1 =	ssub.s32 @!p0 $0x0, s1;
	[sflag:s0] =	ssyncset.done @!p0 $0x0  }
0x51: {  	[sflag:s0] =	ssyncadd.s32 @!p0 s1  }
0x52: {  	[bflag:$0x3] =	sbarrier.arrive $0xFFFF  }
0x53: {  	_ =	shalt  }

// kernel: sparse-core-data-format-call.cloned.1.call-start
scs
called_computation_lowered:
.L_overlay_start_0:
0x0: {  	s1 =	sld [smem:$0x3FD9]  }
0x1: {  	s2 =	sld [smem:$0x3FFE];
	_ =	sdelay $0x1  }
0x2: {  	s3 =	srdreg.scid  }
0x3: {  	s0 =	sand.u32 $0x1, s3  }
0x4: {  	s17 =	sshll.u32 s0, $0xA;
	s1 =	sadd.s32 s2, s1  }
0x5: {  	s1 =	sadd.s32 s1, s17  }
0x6: {  	[smem:$0x3FB6] =	sst s1  }
0x7: {  	_ = 	snop  }
0x8: {  	(tm) =	ssettm $0x1  }
0x9: {  	s18 =	sld [smem:$0x3FFB];
	_ =	sdelay $0x3  }
0xa: {  	_ =	strace s18  }
0xb: {  	s1 =	sld [smem:$0x3FFC];
	_ =	sdelay $0x3  }
0xc: {  	_ =	strace s1  }
0xd: {  	s1 =	sld [smem:$0x3FFD];
	_ =	sdelay $0x3  }
0xe: {  	_ =	strace s1  }
0xf: {  	_ =	strace $0x8FFFFFFF  }
0x10: {  	s19 =	sld [smem:$0x3FDB];
	_ =	sdelay $0x1  }
0x11: {  	s20 =	simm.s32 $_scs_section_size  }
0x12: {  	s4 =	simm.s32 $_size__tile_overlayer_lowered;
	s5 =	simm.s32 $_tile_overlayer_lowered  }
0x13: {  	s23 =	simm.s32 $0x1BFF;
	s22 =	sshll.u32 s5, $0x1;
	s1 =	sadd.s32 s20, s19  }
0x14: {  	s6 =	simm.s32 $0x0;
	s21 =	sshll.u32 s4, $0x1;
	s4 =	sadd.s32 s22, s1  }
0x15: {  	[timem:s6], [sflag:s23] =	dma.local [hbm:s4], s21  }
0x16: {  	_ =	swait.ge [sflag:s23], s21  }
0x17: {  	s2 =	ssub.s32 $0x0, s21;
	[sflag:s23] =	ssyncset.done $0x0  }
0x18: {  	[sflag:s23] =	ssyncadd.s32 s2;
	_ =	sdelay $0x1  }
0x19: {  	s24 =	simm.s32 $0x1B8B  }
0x1a: {  	_ =	swait.ge [sflag:s24], $0x1  }
0x1b: {  	[sflag:s24] =	ssyncset.done $0x0  }
0x1c: {  	s26 =	simm.s32 $0x1B8E;
	s25 =	sld [smem:$0x3FFE];
	[sflag:s24] =	ssyncadd.s32 $0xFFFFFFFF  }
0x1d: {  	s27 =	simm.s32 $execute0_lowered;
	[smem:$0x3FD2] =	sst s26  }
0x1e: {  	s4 =	sshll.u32 s27, $0x1;
	_ =	strace $0x80000049;
	[dreg:$0x1] =	wrdreg $0xFFFFFFFF  }
0x1f: {  	s28 =	simm.s32 $_size_execute0_lowered;
	s1 =	sadd.s32 s1, s4;
	[dreg:$0x0] =	wrdreg $0x0  }
0x20: {  	s4 =	sshll.u32 s28, $0x1;
	[dreg:$0x2] =	wrdreg s1  }
0x21: {  	[dreg:$0x3] =	wrdreg s4  }
0x22: {  	[dreg:$0x4] =	wrdreg $0xC0  }
0x23: {  	_ =	task [dreg:s6], $0x5FFFF  }
0x24: {  	[dreg:$0x1] =	wrdreg $0xFFFFFFFF  }
0x25: {  	[dreg:$0x0] =	wrdreg $0x60  }
0x26: {  	[dreg:$0x2] =	wrdreg s25  }
0x27: {  	[dreg:$0x3] =	wrdreg $0x9  }
0x28: {  	_ =	task.clear_ibuf [dreg:s6], $0x4FFFF;
	_ =	strace $0x90000049  }
0x29: {  	s29 =	simm.s32 $0x9;
	_ =	strace $0x8000004B  }
0x2a: {  	_ =	swait.ge [sflag:s29], $0x1  }
0x2b: {  	[sflag:s29] =	ssyncadd.s32 $0xFFFFFFFF  }
0x2c: {  	_ =	strace $0x9000004B  }
0x2d: {  	_ =	sfence  }
0x2e: {  	s30 =	sld [smem:$0x0];
	_ =	sdelay $0x2  }
0x2f: {  	s31 =	sshll.u32 s3, $0xD;
	s3 =	sshrl.u32 s3, $0x2  }
0x30: {  	s2 =	sand.u32 $0x4000, s31;
	s1 =	sadd.s32 s3, s30  }
0x31: {  	s0 =	sor.u32 s2, s0;
	s1 =	sshll.u32 s1, $0x11  }
0x32: {  	s0 =	sor.u32 s1, s0  }
0x33: {  	s0 =	sadd.s32 $0x8F2B, s0  }
0x34: {  	[sflag:s0] =	ssyncadd.remote.s32 $0x1  }
0x35: {  	_ =	sfence.sel $0xFFFF  }
0x36: {  	[dreg:$0x0] =	wrdreg $0xFFFFFFFF;
	(pc) =	sbr.abs _section_cstart, $3  }
0x37: {  	[dreg:$0x1] =	wrdreg $0xFFFFFFFF  }
0x38: {  	_ =	task.clear_ibuf [dreg:s6], $0x2FFFF;
	_ =	strace $0x9FFFFFFF  }
0x39: {  	(tm) =	ssettm $0x7FFFFFFF  }
tec
execute0_lowered:
.L_overlay_start_1:
0x0: {  	(tag) =	ssettag $0x1  }
0x1: {  	s0 =	stileid.u32;
	s1 =	srdreg.scid  }
0x2: {  	s2 =	sshll.u32 s0, $0x6;
	s1 =	sshll.u32 s1, $0xA  }
0x3: {  	s1 =	sor.u32 s2, s1  }
0x4: {  	s7 =	rddreg [dreg:$0x0];
	s1 =	sand.u32 $0x780, s1  }
0x5: {  	s8 =	simm.s32 $0x2;
	s2 =	sand.u32 $0x1, s0;
	s3 =	ssub.s32 $0x1000, s1  }
0x6: {  	s14 =	simm.s32 $0x0;
	s4 =	ssub.s32 $0x2, s2;
	s5 =	sand.u32 $0x780, s3  }
0x7: {  	s6 =	sshrl.u32 s4, $0x1;
	p0 =	sne.s32 s5, $0x0;
	s5 =	simm.s32 $0x1  }
0x8: {  	s4 =	sand.u32 $0x1, s4;
	s3 =	sshrl.u32 s3, $0xB;
	s5 =	simm.s32 @!p0 $0x0  }
0x9: {  	s9 =	simm.s32 $0x8000;
	s4 =	sadd.s32 s4, s6;
	s5 =	sadd.s32 s5, s3  }
0xa: {  	s15 =	simm.s32 $0x0;
	s16 =	simm.s32 $0x0;
	s6 =	smul.u32 s5, s4  }
.Ltmp0:
0xb: {  	s10 =	simm.s32 $0x0;
	s13 =	simm.s32 $0x0;
	(pc) =	sbr.rel .LBB1_1-.Ltmp0, $4  }
0xc: {  	s12 =	smov.u32 s2;
	s11 =	smov.u32 s1;
	s3 =	rddreg [dreg:$0x1]  }
0xd: {  	_ =	strace $0x8000004A;
	s5 =	simm.s32 $0x1;
	s6 =	smul.u32 $0x14, s6  }
0xe: {  	p0 =	por $0x0, $0x0;
	s4 =	sadd.s32 $0x302800, s7;
	[sflag:s5] =	ssyncpa.u1 $0x0  }
0xf: {  	s7 =	sadd.s32 $0x82800, s7;
	[sflag:s8] =	ssyncpa.u1 $0x0;
	s8 =	sor.u32 $0x1, s6  }
.LBB1_4:
0x10: {  	s16 =	smul.u32 $0xA0000, s16  }
0x11: {  	s19 =	sshll.u32 s15, $0x3;
	s20 =	sand.u32 $0x78, s15;
	s30 =	sand.u32 $0x7E00, s15  }
0x12: {  	s14 =	sshll.u32 s14, $0xF;
	s19 =	sand.u32 $0xC00, s19;
	s16 =	sadd.s32 s7, s16  }
0x13: {  	[tilespmem:s18+$0x810 ss:$0x81] =	vst.msk $0xffff, v2;
	s31 =	sand.u32 $0x7, s15;
	s19 =	sor.u32 s20, s19;
	s16 =	sadd.s32 s30, s16  }
0x14: {  	[tilespmem:s18+$0x1020 ss:$0x81] =	vst.msk $0xffff, v0;
	s15 =	sshll.u32 s31, $0x12;
	s19 =	sshrl.u32 s19, $0x3;
	s14 =	sadd.s32 s14, s16  }
0x15: {  	[tilespmem:s18+$0x0 ss:$0x81] =	vst.msk $0xffff, v1;
	s15 =	sor.u32 $0x400, s15;
	s14 =	sadd.s32 s19, s14  }
0x16: {  	[hbm4b:s14+s15] =	stream.strided.scatter [tilespmem:s17], [sflag:$0x2], $0x2000, s9, s15, $0x20;
	[tilespmem:$0x8080] =	vst v63  }
.LBB1_5:
0x17: {  	s17 =	sadd.s32 $0x1, s10  }
0x18: {  	s14 =	sadd.s32 $0x800, s11;
	s18 =	smov.u32 s11;
	p2 =	sgt.s32 s17, $0x13  }
0x19: {  	s18 =	smov.u32 @p2 s14  }
0x1a: {  	s20 =	smov.u32 s12;
	s14 =	sadd.s32 $0x2, s12;
	p3 =	sgt.s32 s18, $0xFFF  }
0x1b: {  	s20 =	smov.u32 @p3 s14  }
0x1c: {  	s17 =	simm.s32 @p2 $0x0;
	p2 =	sgt.s32 s20, $0x1  }
0x1d: {  	p1 =	slt.u32 s13, $0x2;
	s20 =	smov.u32 @p2 s2;
	p2 =	sne.s32 s13, s8  }
.Ltmp1:
0x1e: {  	s19 =	simm.s32 @!p1 $0x2;
	(pc) =	sbr.rel @!p2 .LBB1_6-.Ltmp1, $4  }
0x1f: {  	s15 =	smov.u32 s11;
	s16 =	smov.u32 s12;
	_ =	swait.ge @!p1 [sflag:s19], $0x2000  }
0x20: {  	p0 =	por !p0, !p0;
	[sflag:s19] =	ssyncset.done @!p1 $0x0;
	s18 =	smov.u32 @p3 s1  }
0x21: {  	s14 =	smov.u32 s10;
	[sflag:s19] =	ssyncadd.s32 @!p1 $0xFFFFE000;
	s10 =	smov.u32 s17  }
0x22: {  	s11 =	smov.u32 s18;
	s13 =	sadd.s32 $0x1, s13;
	s12 =	smov.u32 s20  }
.LBB1_1:
0x23: {  	p1 =	sge.u32 s13, s6  }
0x24: {  	s17 =	sand.u32 @!p1 $0x1FFFFFF, s10;
	s19 =	smul.u32 @!p1 $0x180000, s12  }
0x25: {  	s18 =	smulhi.u32 @!p1 $0xAAAAAAB, s17  }
0x26: {  	s21 =	smul.u32 @!p1 $0x180, s11  }
0x27: {  	s18 =	smul.u32 @!p1 $0x18, s18  }
0x28: {  	s31 =	sadd.s32 $0xFFFFFFFF, s13;
	s19 =	sadd.s32 @!p1 s4, s19  }
0x29: {  	s20 =	sxor.u32 @!p1 $0xFFFFFFFF, s13;
	s19 =	sadd.s32 @!p1 s21, s19;
	s17 =	ssub.s32 @!p1 s17, s18  }
0x2a: {  	s18 =	sshll.u32 @!p1 s20, $0xD;
	s20 =	simm.s32 @!p1 $0xC00;
	s17 =	sshll.u32 @!p1 s17, $0x4  }
0x2b: {  	s18 =	sand.u32 @!p1 $0x2000, s18;
	s17 =	sadd.s32 @!p1 s17, s19;
	s19 =	simm.s32 @!p1 $0x40  }
0x2c: {  	[tilespmem:s18], [sflag:$0x1] =	stream.strided.gather @!p1 [hbm4b:s17+s19], $0x2000, s20, s19, $0x38;
	[tilespmem:$0x8080] =	vst v63  }
0x2d: {  	p1 =	sge.u32 s31, s6  }
.Ltmp2:
0x2e: {  	_ = 	snop;
	(pc) =	sbr.rel @p1 .LBB1_5-.Ltmp2, $1  }
0x2f: {  	_ =	sdelay $0x3  }
0x30: {  	s17 =	simm.s32 $0x1  }
0x31: {  	_ =	swait.ge [sflag:s5], $0x2000;
	s17 =	simm.s32 @!p0 $0x0  }
0x32: {  	[sflag:s5] =	ssyncset.done $0x0;
	s18 =	sshll.u32 s17, $0xD  }
0x33: {  	[sflag:s5] =	ssyncadd.s32 $0xFFFFE000;
	s21 =	sor.u32 $0x20, s18  }
0x34: {  	s17 =	smul.u32 $0x8100, s17;
	v3 =	vld [tilespmem:s21+$0x10]  }
0x35: {  	s30 =	sand.u32 $0x1, s13;
	v2 =	vld [tilespmem:s21+$0xFFFFFFF0]  }
0x36: {  	s18 =	smul.u32 $0x8100, s30;
	s17 =	sshrl.u32 s17, $0x2;
	v0 =	vld [tilespmem:s21+$0x0]  }
0x37: {  	v1 =	vld [tilespmem:s21+$0xFFFFFFE0];
	s19 =	sor.u32 $0x4000, s17  }
0x38: {  	s31 =	sshrl.u32 s18, $0x2;
	s18 =	sadd.s32 $0x0, s19  }
0x39: {  	s20 =	simm.s32 $0x4;
	s21 =	sadd.s32 $0x40, s21;
	s17 =	sor.u32 $0x4000, s31;
	[tilespmem:s18+$0x1830 ss:$0x81] =	vst.msk $0xffff, v3  }
.LBB1_3:
0x3a: {  	v3 =	vld [tilespmem:s21+$0x10];
	p1 =	sne.s32 s20, $0x1FC;
	[tilespmem:s18+$0x810 ss:$0x81] =	vst.msk $0xffff, v2;
	s22 =	smov.u32 s20;
	s20 =	sadd.s32 $0x4, s20  }
.Ltmp3:
0x3b: {  	v2 =	vld [tilespmem:s21+$0xFFFFFFF0];
	[tilespmem:s18+$0x1020 ss:$0x81] =	vst.msk $0xffff, v0;
	(pc) =	sbr.rel @p1 .LBB1_3-.Ltmp3, $4  }
0x3c: {  	v0 =	vld [tilespmem:s21+$0x0];
	[tilespmem:s18+$0x0 ss:$0x81] =	vst.msk $0xffff, v1  }
0x3d: {  	s18 =	sshra.s32 s22, $0x2;
	v1 =	vld [tilespmem:s21+$0xFFFFFFE0]  }
0x3e: {  	s18 =	sadd.s32 s18, s19  }
0x3f: {  	s21 =	sadd.s32 $0x40, s21;
	[tilespmem:s18+$0x1830 ss:$0x81] =	vst.msk $0xffff, v3  }
.Ltmp4:
0x40: {  	_ = 	snop;
	(pc) =	sbr.rel .LBB1_4-.Ltmp4, $1  }
0x41: {  	_ =	sdelay $0x3  }
.LBB1_6:
0x42: {  	_ =	sfence.sel $0x180000  }
0x43: {  	s1 =	simm.s32 $0x1;
	[bflag:$0x0] =	sbarrier.arrive $0xFFFF  }
0x44: {  	s31 =	simm.s32 $0x2;
	[sflag:s1] =	ssyncpa.u1 $0x1  }
0x45: {  	[sflag:s31] =	ssyncpa.u1 $0x1  }
0x46: {  	p0 =	sne.s32 s0, $0x0;
	_ =	strace $0x9000004A  }
0x47: {  	s0 =	sadd.s32 @!p0 $0x100000, s3;
	[bflag:$0x2] =	sbarrier.arrive $0xFFFF  }
0x48: {  	[sflag:s0] =	ssyncadd.tile.s32 @!p0 $0x1;
	_ =	shalt  }
.Lfunc_end1:
_tile_overlayer_lowered:
.L_overlay_start_2:
0x49: {  	(tag) =	ssettag $0x2  }
0x4a: {  	s0 =	rddreg [dreg:$0x0];
	s2 =	stileid.u32  }
0x4b: {  	s1 =	rddreg [dreg:$0x1];
	p0 =	sne.s32 s2, $0x0  }
0x4c: {  	s3 =	rddreg [dreg:$0x2];
	[bflag:$0x3] =	sbarrier.arrive $0xFFFF;
	s2 =	simm.s32 @!p0 $0x1C01  }
0x4d: {  	[timem:s3], [sflag:s2] =	dma.local @!p0 [hbm:s0], s1  }
0x4e: {  	s0 =	simm.s32 @!p0 $0x1  }
0x4f: {  	_ =	swait.ge @!p0 [sflag:s0], s1  }
0x50: {  	s1 =	ssub.s32 @!p0 $0x0, s1;
	[sflag:s0] =	ssyncset.done @!p0 $0x0  }
0x51: {  	[sflag:s0] =	ssyncadd.s32 @!p0 s1  }
0x52: {  	[bflag:$0x3] =	sbarrier.arrive $0xFFFF  }
0x53: {  	_ =	shalt  }

</sc_bundles>
